<compile_context>
chip_gen: v7x
topology: tpu7x:2x2x1
jax: 0.10.2.dev20260603
libtpu: 0.0.44.dev20260713+nightly
codegen_flags: <defaults>
</compile_context>

<pallas_src>
import functools

import jax
import jax.numpy as jnp
from jax import lax
from jax.experimental import pallas as pl
from jax.experimental.pallas import tpu as pltpu
from jax.experimental.pallas import tpu_sc as plsc

_LEVELS = 1024
_OUT = 2048
_N = 224 * 224
_NW = 16
_PER_W = _N // _NW
_VPW = _PER_W // 16
_RNE = 8388608.0

_mesh = plsc.VectorSubcoreMesh(
    core_axis_name="c", subcore_axis_name="s", num_cores=1)


@functools.partial(
    pl.kernel,
    mesh=_mesh,
    out_type=jax.ShapeDtypeStruct((_NW, _LEVELS), jnp.float32),
    compiler_params=pltpu.CompilerParams(needs_layout_passes=False),
    scratch_types=[
        pltpu.VMEM((_PER_W,), jnp.float32),
        pltpu.VMEM((_LEVELS,), jnp.float32),
        pltpu.SemaphoreType.DMA,
    ],
)
def _sc_hist(x_hbm, out_hbm, x_v, tab_v, sem):
    wid = lax.axis_index("s")
    base = wid * _PER_W
    cp = pltpu.async_copy(x_hbm.at[pl.ds(base, _PER_W)], x_v, sem)

    zeros16 = jnp.zeros((16,), jnp.float32)

    def _zero(j, c):
        tab_v[pl.ds(j * 16, 16)] = zeros16
        return c

    lax.fori_loop(0, _LEVELS // 16, _zero, 0)
    cp.wait()

    ones16 = jnp.ones((16,), jnp.float32)

    def _hist(i, c):
        for u in range(2):
            xv = x_v[pl.ds((2 * i + u) * 16, 16)]
            v = xv * float(_LEVELS - 1)
            r = (v + _RNE) - _RNE
            idx = jnp.clip(r.astype(jnp.int32), 0, _LEVELS - 1)
            plsc.addupdate_scatter(tab_v, [idx], ones16)
        return c

    lax.fori_loop(0, _VPW // 2, _hist, 0)

    pltpu.sync_copy(tab_v, out_hbm.at[wid])


def _mv_body(cp_ref, w_ref, o_ref):
    counts = jnp.sum(cp_ref[...], axis=0, keepdims=True)
    o_ref[...] = jnp.dot(counts, w_ref[...], preferred_element_type=jnp.float32)


def kernel(x, level_weight):
    counts_parts = _sc_hist(x)
    out = pl.pallas_call(
        _mv_body,
        out_shape=jax.ShapeDtypeStruct((1, _OUT), jnp.float32),
    )(counts_parts, level_weight)
    return out.reshape(_OUT)

# --- scband reference (transcript-rebuilt; emitter-appended) ---
"""Pipeline reference for scband-encoder-65000035058307 (READ-ONLY COPY).

The authoritative reference and input builder live on the scoring server;
editing this copy changes nothing except your own understanding.
"""

import jax, jax.numpy as jnp
import numpy as np

LEVELS = 1024
OUT_FEATURES = 2048
SIZE = 224
LOW, HIGH = 0.0, 1.0


def _make_level_weight(key):
    # torchhd embeddings.Level: interpolates between two random bipolar hypervectors.
    # level i flips a monotonically increasing fraction of dims from the base
    # hypervector to the end hypervector (threshold-based per-dimension flip).
    k1, k2, k3 = jax.random.split(key, 3)
    base = jnp.where(jax.random.uniform(k1, (OUT_FEATURES,)) < 0.5, -1.0, 1.0).astype(jnp.float32)
    end = jnp.where(jax.random.uniform(k2, (OUT_FEATURES,)) < 0.5, -1.0, 1.0).astype(jnp.float32)
    u = jax.random.uniform(k3, (OUT_FEATURES,))  # fixed per-dim flip ordering
    thresholds = jnp.linspace(0.0, 1.0, LEVELS)[:, None]  # [LEVELS, 1]
    weight = jnp.where(u[None, :] < thresholds, end[None, :], base[None, :])
    return weight.astype(jnp.float32)  # [LEVELS, OUT_FEATURES]


def setup_inputs(seed: int = 0) -> dict:
    key = jax.random.key(seed)
    kx, kw = jax.random.split(key)
    x = jax.random.uniform(kx, (SIZE * SIZE,), dtype=jnp.float32)  # pixel values in [0, 1)
    level_weight = _make_level_weight(kw)
    return {"x": x, "level_weight": level_weight}


def reference(x, level_weight):
    # embeddings.Level forward: quantize value in [LOW, HIGH] to an index, then embedding lookup
    normalized = (x - LOW) / (HIGH - LOW)
    idx = jnp.clip(jnp.round(normalized * (LEVELS - 1)).astype(jnp.int32), 0, LEVELS - 1)
    hypervector = jnp.take(level_weight, idx, axis=0)  # [N, OUT_FEATURES] gather
    # torch.sum(hypervector, dim=0) -> bundle all position hypervectors
    return jnp.sum(hypervector, axis=0)

if __name__ == "__main__":
    import jax
    _d = setup_inputs()
    print(jax.jit(kernel)(*tuple(_d.values())))

</pallas_src>

<mosaic_0001>
#map = affine_map<(d0, d1) -> (0)>
#map1 = affine_map<(d0, d1) -> (0, 0)>
module attributes {stable_mosaic.version = 14 : i64} {
  func.func @_sc_hist(%arg0: i32, %arg1: i32, %arg2: memref<50176xf32, #tpu.memory_space<hbm>>, %arg3: memref<16x1024xf32, #tpu.memory_space<hbm>>, %arg4: memref<3136xf32, #tpu.memory_space<vmem>>, %arg5: memref<1024xf32, #tpu.memory_space<vmem>>, %arg6: memref<!tpu.dma_semaphore, #tpu.memory_space<semaphore_mem>>) attributes {dimension_semantics = [#tpu.dimension_semantics<core_parallel>, #tpu.dimension_semantics<subcore_parallel>], iteration_bounds = array<i64: 1, 16>, scalar_prefetch = 0 : i64, scratch_operands = 3 : i64, tpu.core_type = #tpu.core_type<sc_vector_subcore>, window_params = [{transform_indices = #map}, {transform_indices = #map1}]} {
    %mul3A = arith.constant 3136 : i32
    %mul3A_0 = arith.muli %arg1, %mul3A : i32
    %dma_start3A = tpu.memref_slice %arg2[%mul3A_0] : memref<50176xf32, #tpu.memory_space<hbm>> -> memref<3136xf32, #tpu.memory_space<hbm>>
    %dma_start3A_1 = tpu.memref_slice %arg2[%mul3A_0] : memref<50176xf32, #tpu.memory_space<hbm>> -> memref<3136xf32, #tpu.memory_space<hbm>>
    tpu.enqueue_dma source(%dma_start3A_1 : memref<3136xf32, #tpu.memory_space<hbm>>) target(%arg4 : memref<3136xf32, #tpu.memory_space<vmem>>) target_semaphore(%arg6 : memref<!tpu.dma_semaphore, #tpu.memory_space<semaphore_mem>>)
    %broadcast_in_dim3A = arith.constant 0.000000e+00 : f32
    %broadcast_in_dim3A_2 = vector.broadcast %broadcast_in_dim3A : f32 to vector<16xf32>
    %scan3A = arith.constant 0 : i32
    %scan3A_3 = arith.constant 0 : i32
    %scan3A_4 = arith.constant 64 : i32
    %scan3A_5 = arith.addi %scan3A_3, %scan3A_4 : i32
    %scan3A_6 = arith.constant 1 : i32
    scf.for %scan3A_17 = %scan3A_3 to %scan3A_5 step %scan3A_6  : i32 {
      %mul3A_18 = arith.constant 16 : i32
      %mul3A_19 = arith.muli %scan3A_17, %mul3A_18 : i32
      %swap3A = arith.index_cast %mul3A_19 : i32 to index
      %swap3A_20 = tpu.vector_load %arg5[%swap3A] {strides = array<i32>} : memref<1024xf32, #tpu.memory_space<vmem>>, vector<16xf32>,
      tpu.vector_store %arg5[%swap3A], %broadcast_in_dim3A_2 {strides = array<i32>} : memref<1024xf32, #tpu.memory_space<vmem>>, vector<16xf32>,
    }
    %scan3A_7 = arith.constant 64 : i32
    %dma_wait3A = tpu.memref_slice %arg2[%mul3A_0] : memref<50176xf32, #tpu.memory_space<hbm>> -> memref<3136xf32, #tpu.memory_space<hbm>>
    %dma_wait3A_8 = tpu.memref_slice %arg2[%mul3A_0] : memref<50176xf32, #tpu.memory_space<hbm>> -> memref<3136xf32, #tpu.memory_space<hbm>>
    tpu.wait_dma2 semaphore(%arg6 : memref<!tpu.dma_semaphore, #tpu.memory_space<semaphore_mem>>) src(%dma_wait3A_8 : memref<3136xf32, #tpu.memory_space<hbm>>) dst(%arg4 : memref<3136xf32, #tpu.memory_space<vmem>>)
    %broadcast_in_dim3A_9 = arith.constant 1.000000e+00 : f32
    %broadcast_in_dim3A_10 = vector.broadcast %broadcast_in_dim3A_9 : f32 to vector<16xf32>
    %scan3A_11 = arith.constant 0 : i32
    %scan3A_12 = arith.constant 0 : i32
    %scan3A_13 = arith.constant 98 : i32
    %scan3A_14 = arith.addi %scan3A_12, %scan3A_13 : i32
    %scan3A_15 = arith.constant 1 : i32
    scf.for %scan3A_17 = %scan3A_12 to %scan3A_14 step %scan3A_15  : i32 {
      %mul3A_18 = arith.constant 2 : i32
      %mul3A_19 = arith.muli %mul3A_18, %scan3A_17 : i32
      %add3A = arith.constant 0 : i32
      %add3A_20 = arith.addi %mul3A_19, %add3A : i32
      %mul3A_21 = arith.constant 16 : i32
      %mul3A_22 = arith.muli %add3A_20, %mul3A_21 : i32
      %get3A = arith.index_cast %mul3A_22 : i32 to index
      %get3A_23 = tpu.vector_load %arg4[%get3A] {strides = array<i32>} : memref<3136xf32, #tpu.memory_space<vmem>>, vector<16xf32>,
      %mul3A_24 = arith.constant 1.023000e+03 : f32
      %mul3A_25 = vector.broadcast %mul3A_24 : f32 to vector<16xf32>
      %mul3A_26 = arith.mulf %get3A_23, %mul3A_25 : vector<16xf32>
      %add3A_27 = arith.constant 0x4B000000 : f32
      %add3A_28 = vector.broadcast %add3A_27 : f32 to vector<16xf32>
      %add3A_29 = arith.addf %mul3A_26, %add3A_28 : vector<16xf32>
      %sub3A = arith.constant 0x4B000000 : f32
      %sub3A_30 = vector.broadcast %sub3A : f32 to vector<16xf32>
      %sub3A_31 = arith.subf %add3A_29, %sub3A_30 : vector<16xf32>
      %convert_element_type3A = arith.fptosi %sub3A_31 : vector<16xf32> to vector<16xi32>
      %jit3A = arith.constant 0 : i32
      %jit3A_32 = arith.constant 1023 : i32
      %max3A = vector.broadcast %jit3A : i32 to vector<16xi32>
      %max3A_33 = arith.maxsi %max3A, %convert_element_type3A : vector<16xi32>
      %min3A = vector.broadcast %jit3A_32 : i32 to vector<16xi32>
      %min3A_34 = arith.minsi %min3A, %max3A_33 : vector<16xi32>
      tpu.vector_store_idx %arg5[%min3A_34], %broadcast_in_dim3A_10 {add = true} : memref<1024xf32, #tpu.memory_space<vmem>>[vector<16xi32>], vector<16xf32>,
      %mul3A_35 = arith.constant 2 : i32
      %mul3A_36 = arith.muli %mul3A_35, %scan3A_17 : i32
      %add3A_37 = arith.constant 1 : i32
      %add3A_38 = arith.addi %mul3A_36, %add3A_37 : i32
      %mul3A_39 = arith.constant 16 : i32
      %mul3A_40 = arith.muli %add3A_38, %mul3A_39 : i32
      %get3A_41 = arith.index_cast %mul3A_40 : i32 to index
      %get3A_42 = tpu.vector_load %arg4[%get3A_41] {strides = array<i32>} : memref<3136xf32, #tpu.memory_space<vmem>>, vector<16xf32>,
      %mul3A_43 = arith.constant 1.023000e+03 : f32
      %mul3A_44 = vector.broadcast %mul3A_43 : f32 to vector<16xf32>
      %mul3A_45 = arith.mulf %get3A_42, %mul3A_44 : vector<16xf32>
      %add3A_46 = arith.constant 0x4B000000 : f32
      %add3A_47 = vector.broadcast %add3A_46 : f32 to vector<16xf32>
      %add3A_48 = arith.addf %mul3A_45, %add3A_47 : vector<16xf32>
      %sub3A_49 = arith.constant 0x4B000000 : f32
      %sub3A_50 = vector.broadcast %sub3A_49 : f32 to vector<16xf32>
      %sub3A_51 = arith.subf %add3A_48, %sub3A_50 : vector<16xf32>
      %convert_element_type3A_52 = arith.fptosi %sub3A_51 : vector<16xf32> to vector<16xi32>
      %jit3A_53 = arith.constant 0 : i32
      %jit3A_54 = arith.constant 1023 : i32
      %max3A_55 = vector.broadcast %jit3A_53 : i32 to vector<16xi32>
      %max3A_56 = arith.maxsi %max3A_55, %convert_element_type3A_52 : vector<16xi32>
      %min3A_57 = vector.broadcast %jit3A_54 : i32 to vector<16xi32>
      %min3A_58 = arith.minsi %min3A_57, %max3A_56 : vector<16xi32>
      tpu.vector_store_idx %arg5[%min3A_58], %broadcast_in_dim3A_10 {add = true} : memref<1024xf32, #tpu.memory_space<vmem>>[vector<16xi32>], vector<16xf32>,
    }
    %scan3A_16 = arith.constant 98 : i32
    "tpu.region"() ({
      %run_scoped3A = tpu.sem_alloc : memref<!tpu.dma_semaphore, #tpu.memory_space<semaphore_mem>>
      %dma_start3A_17 = arith.constant 0 : i32
      %dma_start3A_18 = tpu.memref_slice %arg3[%arg1, %dma_start3A_17] : memref<16x1024xf32, #tpu.memory_space<hbm>> -> memref<1x1024xf32, #tpu.memory_space<hbm>>
      %dma_start3A_19 = tpu.memref_squeeze %dma_start3A_18 : memref<1x1024xf32, #tpu.memory_space<hbm>> -> memref<1024xf32, #tpu.memory_space<hbm>>
      %dma_start3A_20 = arith.constant 0 : i32
      %dma_start3A_21 = tpu.memref_slice %arg3[%arg1, %dma_start3A_20] : memref<16x1024xf32, #tpu.memory_space<hbm>> -> memref<1x1024xf32, #tpu.memory_space<hbm>>
      %dma_start3A_22 = tpu.memref_squeeze %dma_start3A_21 : memref<1x1024xf32, #tpu.memory_space<hbm>> -> memref<1024xf32, #tpu.memory_space<hbm>>
      tpu.enqueue_dma source(%arg5 : memref<1024xf32, #tpu.memory_space<vmem>>) target(%dma_start3A_22 : memref<1024xf32, #tpu.memory_space<hbm>>) target_semaphore(%run_scoped3A : memref<!tpu.dma_semaphore, #tpu.memory_space<semaphore_mem>>)
      %dma_wait3A_23 = arith.constant 0 : i32
      %dma_wait3A_24 = tpu.memref_slice %arg3[%arg1, %dma_wait3A_23] : memref<16x1024xf32, #tpu.memory_space<hbm>> -> memref<1x1024xf32, #tpu.memory_space<hbm>>
      %dma_wait3A_25 = tpu.memref_squeeze %dma_wait3A_24 : memref<1x1024xf32, #tpu.memory_space<hbm>> -> memref<1024xf32, #tpu.memory_space<hbm>>
      %dma_wait3A_26 = arith.constant 0 : i32
      %dma_wait3A_27 = tpu.memref_slice %arg3[%arg1, %dma_wait3A_26] : memref<16x1024xf32, #tpu.memory_space<hbm>> -> memref<1x1024xf32, #tpu.memory_space<hbm>>
      %dma_wait3A_28 = tpu.memref_squeeze %dma_wait3A_27 : memref<1x1024xf32, #tpu.memory_space<hbm>> -> memref<1024xf32, #tpu.memory_space<hbm>>
      tpu.wait_dma2 semaphore(%run_scoped3A : memref<!tpu.dma_semaphore, #tpu.memory_space<semaphore_mem>>) src(%arg5 : memref<1024xf32, #tpu.memory_space<vmem>>) dst(%dma_wait3A_28 : memref<1024xf32, #tpu.memory_space<hbm>>)
      tpu.yield
    }) : () -> ()
    return
  }
}

module attributes {stable_mosaic.version = 14 : i64} {
  func.func @_mv_body(%arg0: memref<16x1024xf32, #tpu.memory_space<vmem>>, %arg1: memref<1024x2048xf32, #tpu.memory_space<vmem>>, %arg2: memref<1x2048xf32, #tpu.memory_space<vmem>>) attributes {dimension_semantics = [], scalar_prefetch = 0 : i64, scratch_operands = 0 : i64, tpu.core_type = #tpu.core_type<tc>} {
    %get3A = arith.constant 0 : index
    %get3A_0 = arith.constant 0 : index
    %get3A_1 = vector.load %arg0[%get3A, %get3A_0] : memref<16x1024xf32, #tpu.memory_space<vmem>>, vector<16x1024xf32>
    %reduce_sum3A = arith.constant dense<0.000000e+00> : vector<1024xf32>
    %reduce_sum3A_2 = vector.multi_reduction <add>, %get3A_1, %reduce_sum3A [0] : vector<16x1024xf32> to vector<1024xf32>
    %broadcast_in_dim3A = vector.shape_cast %reduce_sum3A_2 : vector<1024xf32> to vector<1x1024xf32>
    %get3A_3 = arith.constant 0 : index
    %get3A_4 = arith.constant 0 : index
    %get3A_5 = vector.load %arg1[%get3A_3, %get3A_4] : memref<1024x2048xf32, #tpu.memory_space<vmem>>, vector<1024x2048xf32>
    %dot_general3A = arith.constant dense<0.000000e+00> : vector<1x2048xf32>
    %dot_general3A_6 = tpu.matmul %broadcast_in_dim3A, %get3A_5, %dot_general3A {dimension_numbers = #tpu.dot_dimension_numbers<[1], [0], [0], [1], [0, 0, 1, 1], [], []>, transpose_lhs_hint = false} : vector<1x1024xf32>, vector<1024x2048xf32>, vector<1x2048xf32> -> vector<1x2048xf32>
    %swap3A = arith.constant 0 : index
    %swap3A_7 = arith.constant 0 : index
    %swap3A_8 = vector.load %arg2[%swap3A, %swap3A_7] : memref<1x2048xf32, #tpu.memory_space<vmem>>, vector<1x2048xf32>
    tpu.vector_store %arg2[%swap3A, %swap3A_7], %dot_general3A_6 {strides = array<i32>} : memref<1x2048xf32, #tpu.memory_space<vmem>>, vector<1x2048xf32>,
    return
  }
}

</mosaic_0001>

<sc_bundles>
// kernel: kernel.4.cloned.1.call-start
scs
__scs_entry_jumppad:
0x0: {  	(pc) =	sbr.rel $0x88, $3  }
0x1: {  	(tag) =	ssettag $0x0;
	lr =	simm.s32 $0x1  }
0x2: {  	[smem:$0x3F9F] =	sst lr;
	_ =	strace $0xD0000000  }
0x3: {  	_ = 	snop  }
0x4: {  	_ = 	snop  }
0x5: {  	_ = 	snop  }
0x6: {  	_ = 	snop  }
0x7: {  	_ = 	snop  }
__scs_overlays_trampoline_lowered:
0x8: {  	[smem:$0x3FAE] =	sst s0  }
0x9: {  	[smem:$0x3FAF] =	sst s1  }
0xa: {  	[smem:$0x3FB0] =	sst s2  }
0xb: {  	[smem:$0x3FB1] =	sst s3  }
0xc: {  	[smem:$0x3FB2] =	sst s4  }
0xd: {  	[smem:$0x3FB3] =	sst s5  }
0xe: {  	[smem:$0x3FB4] =	sst s6  }
0xf: {  	[smem:$0x3FB5] =	sst s7  }
0x10: {  	[smem:$0x3FB6] =	sst s8  }
0x11: {  	[smem:$0x3FB7] =	sst s9;
	s0 =	simm.s32 @!p0 $0x0  }
0x12: {  	s1 =	sld [smem:$0x3F9D];
	s0 =	simm.s32 @p0 $0x1  }
0x13: {  	[smem:$0x3FB8] =	sst s0;
	s0 =	simm.s32 @!p1 $0x0  }
0x14: {  	s2 =	sld [smem:$0x3F9C];
	s0 =	simm.s32 @p1 $0x1  }
0x15: {  	[smem:$0x3FB9] =	sst s0;
	s0 =	simm.s32 @!p2 $0x0  }
0x16: {  	s3 =	sld [smem:$0x3FDB];
	s0 =	simm.s32 @p2 $0x1  }
0x17: {  	s4 =	simm.s32 $0x1BF5;
	[smem:$0x3FBB] =	sst s0  }
0x18: {  	s0 =	sld [smem:$0x3F9E];
	_ =	swait.ge [sflag:s4], $0x0  }
0x19: {  	s7 =	sld [smem:$0x3F9F]  }
0x1a: {  	s8 =	sadd.s32 $0xFFFFE003, lr  }
0x1b: {  	s9 =	sadd.s32 $0xFFFFFEF7, lr;
	s5 =	simm.s32 $0xFFFFFFFF;
	p2 =	slt.u32 s8, $0xFFFFF086  }
0x1c: {  	p1 =	slt.u32 s9, $0xF7A;
	s5 =	simm.s32 @!p2 $0x0  }
0x1d: {  	s5 =	simm.s32 @p1 $0x1;
	p0 =	seq.s32 s7, s2  }
0x1e: {  	s7 =	smul.u32 @!p0 $0xF7A, s2;
	p2 =	seq.s32 @!p0 s5, $0x0  }
0x1f: {  	s9 =	smul.u32 $0xF7A, s1;
	s8 =	simm.s32 @!p0 $0x1BF5;
	p2 =	por !p2, p0  }
0x20: {  	[sflag:s8] =	ssyncset.s32 @!p0 $0xFFFFF086;
	s6 =	sadd.s32 @!p0 s3, s7;
	s7 =	simm.s32 @!p0 $0x108  }
0x21: {  	s3 =	sadd.s32 s3, s9;
	s6 =	sadd.s32 @!p0 $0x88, s6;
	s7 =	simm.s32 @p2 $0x1082  }
0x22: {  	[simem:s7], [sflag:s8] =	dma.local @!p0 [hbm:s6], $0xF7A  }
0x23: {  	s9 =	sor.u32 $0xD0000000, s2;
	s6 =	simm.s32 $0x108;
	_ =	swait.ge @!p0 [sflag:s8], $0x0  }
0x24: {  	s3 =	sadd.s32 $0x88, s3;
	s6 =	simm.s32 @!p1 $0x1082;
	[sflag:s4] =	ssyncset.s32 $0xFFFFF086  }
0x25: {  	[simem:s6], [sflag:s4] =	dma.local [hbm:s3], $0xF7A  }
0x26: {  	[smem:$0x3F9F] =	sst s1;
	(tag) =	ssettag s2;
	_ =	strace s9  }
0x27: {  	s1 =	sld [smem:$0x3FAF]  }
0x28: {  	s2 =	sld [smem:$0x3FB0]  }
0x29: {  	s4 =	sld [smem:$0x3FB2]  }
0x2a: {  	p0 =	seq.s32 s5, $0x0;
	s5 =	sld [smem:$0x3FB3]  }
0x2b: {  	s6 =	sld [smem:$0x3FB4]  }
0x2c: {  	s7 =	sld [smem:$0x3FB5]  }
0x2d: {  	s3 =	simm.s32 $0x108;
	s8 =	sld [smem:$0x3FB6]  }
0x2e: {  	s3 =	simm.s32 @!p0 $0x1082;
	s9 =	sld [smem:$0x3FB7]  }
0x2f: {  	lr =	sadd.s32 s0, s3;
	s0 =	sld [smem:$0x3FAE]  }
0x30: {  	s3 =	sld [smem:$0x3FB1]  }
0x31: {  	[smem:$0x3FBA] =	sst s10  }
0x32: {  	s10 =	sld [smem:$0x3FB8];
	_ =	sdelay $0x3  }
0x33: {  	p0 =	seq.s32 s10, $0x1;
	s10 =	sld [smem:$0x3FBA];
	_ =	sdelay $0x3  }
0x34: {  	[smem:$0x3FBA] =	sst s10  }
0x35: {  	s10 =	sld [smem:$0x3FB9];
	_ =	sdelay $0x3  }
0x36: {  	p1 =	seq.s32 s10, $0x1;
	s10 =	sld [smem:$0x3FBA];
	_ =	sdelay $0x3  }
0x37: {  	[smem:$0x3FBA] =	sst s10  }
0x38: {  	s10 =	sld [smem:$0x3FBB]  }
0x39: {  	_ = 	snop;
	(pc) =	sbr.ind lr, $3  }
0x3a: {  	_ = 	snop  }
0x3b: {  	_ = 	snop  }
0x3c: {  	p2 =	seq.s32 s10, $0x1;
	s10 =	sld [smem:$0x3FBA]  }
0x3d: {  	_ =	shalt  }
0x3e: {  	_ =	shalt  }
0x3f: {  	_ =	shalt  }
0x40: {  	_ =	shalt  }
0x41: {  	_ =	shalt  }
0x42: {  	_ =	shalt  }
0x43: {  	_ =	shalt  }
0x44: {  	_ =	shalt  }
0x45: {  	_ =	shalt  }
0x46: {  	_ =	shalt  }
0x47: {  	_ =	shalt  }
0x48: {  	_ =	shalt  }
0x49: {  	_ =	shalt  }
0x4a: {  	_ =	shalt  }
0x4b: {  	_ =	shalt  }
0x4c: {  	_ =	shalt  }
0x4d: {  	_ =	shalt  }
0x4e: {  	_ =	shalt  }
0x4f: {  	_ =	shalt  }
0x50: {  	_ =	shalt  }
0x51: {  	_ =	shalt  }
0x52: {  	_ =	shalt  }
0x53: {  	_ =	shalt  }
0x54: {  	_ =	shalt  }
0x55: {  	_ =	shalt  }
0x56: {  	_ =	shalt  }
0x57: {  	_ =	shalt  }
0x58: {  	_ =	shalt  }
0x59: {  	_ =	shalt  }
0x5a: {  	_ =	shalt  }
0x5b: {  	_ =	shalt  }
0x5c: {  	_ =	shalt  }
0x5d: {  	_ =	shalt  }
0x5e: {  	_ =	shalt  }
0x5f: {  	_ =	shalt  }
0x60: {  	_ =	shalt  }
0x61: {  	_ =	shalt  }
0x62: {  	_ =	shalt  }
0x63: {  	_ =	shalt  }
0x64: {  	_ =	shalt  }
0x65: {  	_ =	shalt  }
0x66: {  	_ =	shalt  }
0x67: {  	_ =	shalt  }
0x68: {  	_ =	shalt  }
0x69: {  	_ =	shalt  }
0x6a: {  	_ =	shalt  }
0x6b: {  	_ =	shalt  }
0x6c: {  	_ =	shalt  }
0x6d: {  	_ =	shalt  }
0x6e: {  	_ =	shalt  }
0x6f: {  	_ =	shalt  }
0x70: {  	_ =	shalt  }
0x71: {  	_ =	shalt  }
0x72: {  	_ =	shalt  }
0x73: {  	_ =	shalt  }
0x74: {  	_ =	shalt  }
0x75: {  	_ =	shalt  }
0x76: {  	_ =	shalt  }
0x77: {  	_ =	shalt  }
0x78: {  	_ =	shalt  }
0x79: {  	_ =	shalt  }
0x7a: {  	_ =	shalt  }
0x7b: {  	_ =	shalt  }
0x7c: {  	_ =	shalt  }
0x7d: {  	_ =	shalt  }
0x7e: {  	_ =	shalt  }
0x7f: {  	_ =	shalt  }
0x80: {  	_ =	shalt  }
0x81: {  	_ =	shalt  }
0x82: {  	_ =	shalt  }
0x83: {  	_ =	shalt  }
0x84: {  	_ =	shalt  }
0x85: {  	_ =	shalt  }
0x86: {  	_ =	shalt  }
0x87: {  	_ =	shalt  }
.Lfunc_end0:
.L_simem_size_0:
called_computation_lowered:
.L_overlay_start_0:
0x88: {  	s0 =	sld [smem:$0x3FD9]  }
0x89: {  	s1 =	sld [smem:$0x3FFE];
	_ =	sdelay $0x3  }
0x8a: {  	s0 =	sadd.s32 s1, s0  }
0x8b: {  	[smem:$0x3FC6] =	sst s0  }
0x8c: {  	_ = 	snop  }
0x8d: {  	s0 =	sld [smem:$0x3FC9];
	(tm) =	ssettm $0x1  }
0x8e: {  	s16 =	sld [smem:$0x3FFB];
	_ =	sdelay $0x3  }
0x8f: {  	_ =	strace s16  }
0x90: {  	s1 =	sld [smem:$0x3FFC];
	_ =	sdelay $0x3  }
0x91: {  	_ =	strace s1  }
0x92: {  	s1 =	sld [smem:$0x3FFD];
	_ =	sdelay $0x3  }
0x93: {  	_ =	strace s1  }
0x94: {  	_ =	strace $0x8FFFFFFF  }
0x95: {  	s17 =	sld [smem:$0x3FDB];
	_ =	sdelay $0x1  }
0x96: {  	s2 =	simm.s32 $_scs_section_size  }
0x97: {  	s3 =	simm.s32 $_size__tile_overlayer_lowered;
	s4 =	simm.s32 $_tile_overlayer_lowered  }
0x98: {  	s20 =	simm.s32 $0x1BFF;
	s19 =	sshll.u32 s4, $0x1;
	s1 =	sadd.s32 s2, s17  }
0x99: {  	s5 =	simm.s32 $0x0;
	s18 =	sshll.u32 s3, $0x1;
	s3 =	sadd.s32 s19, s1  }
0x9a: {  	[timem:s5], [sflag:s20] =	dma.local [hbm:s3], s18  }
0x9b: {  	_ =	swait.ge [sflag:s20], s18  }
0x9c: {  	s2 =	ssub.s32 $0x0, s18;
	[sflag:s20] =	ssyncset.done $0x0  }
0x9d: {  	[sflag:s20] =	ssyncadd.s32 s2;
	_ =	sdelay $0x1  }
0x9e: {  	s21 =	simm.s32 $0x1B8B  }
0x9f: {  	_ =	swait.ge [sflag:s21], $0x1  }
0xa0: {  	[sflag:s21] =	ssyncset.done $0x0  }
0xa1: {  	s23 =	simm.s32 $0x1B8E;
	s22 =	sld [smem:$0x3FFE];
	[sflag:s21] =	ssyncadd.s32 $0xFFFFFFFF  }
0xa2: {  	s24 =	simm.s32 $execute0_lowered;
	[smem:$0x3FD2] =	sst s23  }
0xa3: {  	s3 =	sshll.u32 s24, $0x1;
	_ =	strace $0x80000046;
	[dreg:$0x1] =	wrdreg $0xFFFFFFFF  }
0xa4: {  	s25 =	simm.s32 $_size_execute0_lowered;
	s1 =	sadd.s32 s1, s3;
	[dreg:$0x0] =	wrdreg $0x0  }
0xa5: {  	s3 =	sshll.u32 s25, $0x1;
	[dreg:$0x2] =	wrdreg s1  }
0xa6: {  	[dreg:$0x3] =	wrdreg s3  }
0xa7: {  	[dreg:$0x4] =	wrdreg $0xC0  }
0xa8: {  	_ =	task [dreg:s5], $0x5FFFF  }
0xa9: {  	[dreg:$0x1] =	wrdreg $0xFFFFFFFF  }
0xaa: {  	[dreg:$0x0] =	wrdreg $0x60  }
0xab: {  	[dreg:$0x2] =	wrdreg s0  }
0xac: {  	[dreg:$0x3] =	wrdreg s22  }
0xad: {  	[dreg:$0x4] =	wrdreg $0x9  }
0xae: {  	_ =	task.clear_ibuf [dreg:s5], $0x5FFFF;
	_ =	strace $0x90000046  }
0xaf: {  	s26 =	simm.s32 $0x9;
	_ =	strace $0x80000048  }
0xb0: {  	_ =	swait.ge [sflag:s26], $0x1  }
0xb1: {  	[sflag:s26] =	ssyncadd.s32 $0xFFFFFFFF  }
0xb2: {  	_ =	strace $0x90000048  }
0xb3: {  	_ =	sfence  }
0xb4: {  	s28 =	sld [smem:$0x0];
	_ =	sdelay $0x1  }
0xb5: {  	s29 =	srdreg.scid  }
0xb6: {  	s30 =	sshll.u32 s29, $0xD;
	s31 =	sshrl.u32 s29, $0x2  }
0xb7: {  	s2 =	sand.u32 $0x4000, s30;
	s1 =	sand.u32 $0x1, s29;
	s0 =	sadd.s32 s31, s28  }
0xb8: {  	s1 =	sor.u32 s2, s1;
	s0 =	sshll.u32 s0, $0x11  }
0xb9: {  	s0 =	sor.u32 s0, s1  }
0xba: {  	s0 =	sadd.s32 $0x8F2B, s0  }
0xbb: {  	[sflag:s0] =	ssyncadd.remote.s32 $0x1  }
0xbc: {  	_ =	sfence.sel $0xFFFF  }
0xbd: {  	[dreg:$0x0] =	wrdreg $0xFFFFFFFF;
	(pc) =	sbr.abs _section_cstart, $3  }
0xbe: {  	[dreg:$0x1] =	wrdreg $0xFFFFFFFF  }
0xbf: {  	_ =	task.clear_ibuf [dreg:s5], $0x2FFFF;
	_ =	strace $0x9FFFFFFF  }
0xc0: {  	(tm) =	ssettm $0x7FFFFFFF  }
0xc1: {  	_ =	shalt  }
tec
execute0_lowered:
.L_overlay_start_1:
0x0: {  	(tag) =	ssettag $0x1  }
0x1: {  	s2 =	rddreg [dreg:$0x0];
	s1 =	stileid.u32  }
0x2: {  	s3 =	rddreg [dreg:$0x1];
	s4 =	simm.s32 $0x0;
	s5 =	smul.u32 $0x188, s1  }
0x3: {  	[smem:$0x7FF] =	sst s4  }
0x4: {  	s0 =	rddreg [dreg:$0x2];
	_ =	strace $0x80000047;
	s2 =	sadd.s32 s2, s5  }
0x5: {  	[tilespmem:s4], [sflag:$0x1] =	stream.linear.gather [hbm4b:s2+s4], $0xC40, $0x38;
	[tilespmem:$0x1080] =	vst v63  }
0x6: {  	v0 =	vimm.f32 $0.0e+00;
	s2 =	sadd.s32 $0x800, s3;
	s3 =	simm.s32 $0x40;
	s4 =	simm.s32 $0x0  }
.LBB2_1:
0x7: {  	p0 =	sne.s32 s3, $0xFC0;
	[tilespmem:s4+$0xC80] =	vst v0;
	s4 =	smov.u32 s3;
	s3 =	sadd.s32 $0x40, s3  }
.Ltmp0:
0x8: {  	(pc) =	sbr.rel @p0 .LBB2_1-.Ltmp0, $2  }
0x9: {  	_ =	sdelay $0x2  }
0xa: {  	s4 =	sshra.s32 s4, $0x2  }
0xb: {  	[tilespmem:s4+$0xC80] =	vst v0;
	s3 =	simm.s32 $0x1  }
0xc: {  	_ =	swait.ge [sflag:s3], $0xC40  }
0xd: {  	[sflag:s3] =	ssyncset.done $0x0  }
0xe: {  	v0 =	vimm.f32 $1.000000000e+00;
	s4 =	simm.s32 $0xC80;
	[sflag:s3] =	ssyncadd.s32 $0xFFFFF3C0;
	s3 =	simm.s32 $0x0  }
.LBB2_3:
0xf: {  	s5 =	sshra.s32 s3, $0x2  }
0x10: {  	v1 =	vld [tilespmem:s5+$0x0];
	_ =	sdelay $0x4  }
0x11: {  	v1 =	vmul.f32 $1.023000000e+03, v1;
	_ =	sdelay $0x1  }
0x12: {  	v1 =	vadd.f32 $8.388608000e+06, v1;
	_ =	sdelay $0x1  }
0x13: {  	v1 =	vadd.f32 $-8.388608000e+06, v1;
	_ =	sdelay $0x1  }
0x14: {  	v1 =	vtrunc.f32 v1  }
0x15: {  	v1 =	vcvt.f32.s32 v1;
	_ =	sdelay $0x1  }
0x16: {  	vm0 =	vgt.s32 v1, $0x0  }
0x17: {  	v1 =	vnsel vm0, $0x0, v1  }
0x18: {  	v1 =	vmin.u32 v1, $0x3FF;
	_ =	sdelay $0x4  }
0x19: {  	[tilespmem:v1+s4+$0x0] =	vst.idx.add.f32.msk $0xffff, v0  }
0x1a: {  	v1 =	vld [tilespmem:s5+$0x10];
	_ =	sdelay $0x4  }
0x1b: {  	v1 =	vmul.f32 $1.023000000e+03, v1;
	_ =	sdelay $0x1  }
0x1c: {  	v1 =	vadd.f32 $8.388608000e+06, v1;
	_ =	sdelay $0x1  }
0x1d: {  	v1 =	vadd.f32 $-8.388608000e+06, v1;
	_ =	sdelay $0x1  }
0x1e: {  	v1 =	vtrunc.f32 v1  }
0x1f: {  	v1 =	vcvt.f32.s32 v1;
	_ =	sdelay $0x1  }
0x20: {  	vm15 =	vgt.s32 v1, $0x0  }
0x21: {  	v1 =	vnsel vm15, $0x0, v1  }
0x22: {  	p0 =	sne.s32 s3, $0x3080;
	v1 =	vmin.u32 v1, $0x3FF  }
.Ltmp1:
0x23: {  	_ = 	snop;
	(pc) =	sbr.rel @p0 .LBB2_3-.Ltmp1, $2  }
0x24: {  	_ =	sdelay $0x2  }
0x25: {  	s3 =	sadd.s32 $0x80, s3;
	[tilespmem:v1+s4+$0x0] =	vst.idx.add.f32.msk $0xffff, v0  }
0x26: {  	s3 =	sshll.u32 s1, $0x4  }
0x27: {  	s4 =	sshll.u32 s1, $0x7;
	s29 =	simm.s32 $0x80;
	s3 =	sand.u32 $0x70, s3  }
0x28: {  	s30 =	simm.s32 $0x400;
	s4 =	sand.u32 $0x400, s4;
	s2 =	sadd.s32 s2, s3  }
0x29: {  	s5 =	simm.s32 $0xC80;
	s31 =	simm.s32 $0x2;
	s2 =	sadd.s32 s4, s2  }
0x2a: {  	[hbm4b:s2+s29] =	stream.strided.scatter [tilespmem:s5], [sflag:$0x2], $0x400, s30, s29, $0x38;
	[tilespmem:$0x1080] =	vst v63  }
0x2b: {  	_ =	swait.ge [sflag:s31], $0x400  }
0x2c: {  	[sflag:s31] =	ssyncset.done $0x0  }
0x2d: {  	[sflag:s31] =	ssyncadd.s32 $0xFFFFFC00  }
0x2e: {  	_ =	sfence.sel $0x180000  }
0x2f: {  	[bflag:$0x0] =	sbarrier.arrive $0xFFFF  }
0x30: {  	p0 =	sne.s32 s1, $0x0;
	_ =	strace $0x90000047  }
0x31: {  	s0 =	sadd.s32 @!p0 $0x100000, s0;
	[bflag:$0x2] =	sbarrier.arrive $0xFFFF  }
0x32: {  	[sflag:s0] =	ssyncadd.tile.s32 @!p0 $0x1;
	_ =	shalt  }
.Lfunc_end2:
_tile_overlayer_lowered:
.L_overlay_start_2:
0x33: {  	(tag) =	ssettag $0x2  }
0x34: {  	s0 =	rddreg [dreg:$0x0];
	s2 =	stileid.u32  }
0x35: {  	s1 =	rddreg [dreg:$0x1];
	p0 =	sne.s32 s2, $0x0  }
0x36: {  	s3 =	rddreg [dreg:$0x2];
	[bflag:$0x3] =	sbarrier.arrive $0xFFFF;
	s2 =	simm.s32 @!p0 $0x1C02  }
0x37: {  	[timem:s3], [sflag:s2] =	dma.local @!p0 [hbm:s0], s1  }
0x38: {  	s0 =	simm.s32 @!p0 $0x2  }
0x39: {  	_ =	swait.ge @!p0 [sflag:s0], s1  }
0x3a: {  	s1 =	ssub.s32 @!p0 $0x0, s1;
	[sflag:s0] =	ssyncset.done @!p0 $0x0  }
0x3b: {  	[sflag:s0] =	ssyncadd.s32 @!p0 s1  }
0x3c: {  	[bflag:$0x3] =	sbarrier.arrive $0xFFFF  }
0x3d: {  	_ =	shalt  }

</sc_bundles>
